<compile_context>
chip_gen: v7x
topology: tpu7x:2x2x1
jax: 0.10.2.dev20260603
libtpu: 0.0.44.dev20260713+nightly
codegen_flags: <defaults>
</compile_context>

<pallas_src>
import functools

import jax
import jax.numpy as jnp
from jax import lax
from jax.experimental import pallas as pl
from jax.experimental.pallas import tpu as pltpu
from jax.experimental.pallas import tpu_sc as plsc

N = 3072
D = 1024
NA = N // 3
RB = 768
AB = RB // 3
PH = N // RB


@functools.lru_cache(maxsize=None)
def _make_sc_gather():
    info = plsc.get_sparse_core_info()
    nw = info.num_cores * info.num_subcores
    rw = N // nw
    aw = NA // nw

    mesh = plsc.VectorSubcoreMesh(core_axis_name="c", subcore_axis_name="s")

    hw = rw // 2

    @functools.partial(
        pl.kernel,
        mesh=mesh,
        out_type=jax.ShapeDtypeStruct((N, D), jnp.float32),
        scratch_types=[
            pltpu.VMEM((rw,), jnp.int32),
            pltpu.VMEM((rw, D), jnp.float32),
            pltpu.SemaphoreType.DMA,
            pltpu.SemaphoreType.DMA,
            pltpu.SemaphoreType.DMA,
            pltpu.SemaphoreType.DMA,
        ],
    )
    def gather_k(table_hbm, idx_hbm, out_hbm,
                 idx_v, rows_v, sg0, sg1, ss0, ss1):
        wid = lax.axis_index("s") * info.num_cores + lax.axis_index("c")
        base = wid * rw
        pltpu.sync_copy(idx_hbm.at[pl.ds(base, rw)], idx_v)
        g0 = pltpu.async_copy(
            table_hbm.at[idx_v.at[pl.ds(0, hw)]], rows_v.at[pl.ds(0, hw)], sg0)
        g1 = pltpu.async_copy(
            table_hbm.at[idx_v.at[pl.ds(hw, hw)]], rows_v.at[pl.ds(hw, hw)], sg1)
        g0.wait()
        s0 = pltpu.async_copy(
            rows_v.at[pl.ds(0, hw)], out_hbm.at[pl.ds(base, hw)], ss0)
        g1.wait()
        s1 = pltpu.async_copy(
            rows_v.at[pl.ds(hw, hw)], out_hbm.at[pl.ds(base + hw, hw)], ss1)
        s0.wait()
        s1.wait()

    return gather_k


def _normed_bf16(e):
    nrm = jnp.sqrt(jnp.sum(e * e, axis=1, keepdims=True))
    return (e / jnp.maximum(nrm, 1e-12)).astype(jnp.bfloat16)


def _fused_body(e_ref, dist_ref, ranks_ref, medr_ref, nb_ref, na_ref):
    i = pl.program_id(0)

    @pl.when(i < PH)
    def _normalize_phase():
        nb = _normed_bf16(e_ref[...])
        nb_ref[pl.ds(i * RB, RB), :] = nb
        ja = lax.broadcasted_iota(jnp.int32, (AB, RB), 0)
        ka = lax.broadcasted_iota(jnp.int32, (AB, RB), 1)
        sel = (ka == 3 * ja).astype(jnp.bfloat16)
        na_ref[pl.ds(i * AB, AB), :] = lax.dot_general(
            sel, nb, (((1,), (0,)), ((), ())),
            preferred_element_type=jnp.float32).astype(jnp.bfloat16)

    @pl.when(i >= PH)
    def _dist_phase():
        j = i - PH
        r0 = j * RB
        a = nb_ref[pl.ds(r0, RB), :]
        b = nb_ref[...]
        d = 1.0 - lax.dot_general(
            a, b, (((1,), (1,)), ((), ())),
            preferred_element_type=jnp.float32)
        dist_ref[...] = d

        lr = lax.broadcasted_iota(jnp.int32, (RB, RB), 0)
        lc = lax.broadcasted_iota(jnp.int32, (RB, RB), 1)
        strip = dist_ref[:, pl.ds(r0, RB)]
        dist_ref[:, pl.ds(r0, RB)] = jnp.where(
            ((lr % 3) == 0) & (lc == lr), -1.0, strip)

        an = na_ref[pl.ds(j * AB, AB), :]
        da = 1.0 - lax.dot_general(
            an, b, (((1,), (1,)), ((), ())),
            preferred_element_type=jnp.float32)
        col = lax.broadcasted_iota(jnp.int32, (AB, N), 1)
        acol = r0 + 3 * lax.broadcasted_iota(jnp.int32, (AB, 1), 0)
        tcol = acol + 1
        da = jnp.where(col == acol, -1.0, da)
        v = jnp.sum(jnp.where(col == tcol, da, 0.0), axis=1, keepdims=True)
        less = jnp.sum((da < v).astype(jnp.float32), axis=1, keepdims=True)
        eqb = jnp.sum(((da == v) & (col < tcol)).astype(jnp.float32),
                      axis=1, keepdims=True)
        ranks = less + eqb - 1.0
        ranks_ref[...] = ranks.astype(jnp.int32)

        part = jnp.sum(ranks)

        @pl.when(j == 0)
        def _():
            medr_ref[0, 0] = part

        @pl.when(j > 0)
        def _():
            medr_ref[0, 0] = medr_ref[0, 0] + part

        @pl.when(j == PH - 1)
        def _():
            medr_ref[0, 0] = medr_ref[0, 0] / float(NA)


def kernel(embeddings, originalIndexes):
    e = _make_sc_gather()(embeddings, originalIndexes)

    dist, ranks2d, medr = pl.pallas_call(
        _fused_body,
        grid=(2 * PH,),
        in_specs=[
            pl.BlockSpec((RB, D), lambda i: (jnp.minimum(i, PH - 1), 0)),
        ],
        out_specs=[
            pl.BlockSpec((RB, N), lambda i: (jnp.maximum(i - PH, 0), 0)),
            pl.BlockSpec((AB, 1), lambda i: (jnp.maximum(i - PH, 0), 0)),
            pl.BlockSpec(memory_space=pltpu.SMEM),
        ],
        out_shape=[
            jax.ShapeDtypeStruct((N, N), jnp.float32),
            jax.ShapeDtypeStruct((NA, 1), jnp.int32),
            jax.ShapeDtypeStruct((1, 1), jnp.float32),
        ],
        scratch_shapes=[
            pltpu.VMEM((N, D), jnp.bfloat16),
            pltpu.VMEM((NA, D), jnp.bfloat16),
        ],
    )(e)

    return dist, ranks2d.reshape(NA), medr[0, 0]

# --- scband reference (transcript-rebuilt; emitter-appended) ---
"""Pipeline reference for scband-embeddings-distance-21217138442417 (READ-ONLY COPY).

The authoritative reference and input builder live on the scoring server;
editing this copy changes nothing except your own understanding.
"""

import jax, jax.numpy as jnp
import numpy as np


def setup_inputs(seed: int = 0) -> dict:
    key = jax.random.key(seed)
    k1, k2 = jax.random.split(key)
    embeddings = jax.random.normal(k1, (3072, 1024), dtype=jnp.float32)
    originalIndexes = jax.random.randint(k2, (3072,), 0, 3072, dtype=jnp.int32)
    return {"embeddings": embeddings, "originalIndexes": originalIndexes}


def reference(embeddings, originalIndexes):
    # forward(): gather embeddings back into original order (accumulation step)
    e = jnp.take(embeddings, originalIndexes, axis=0)
    # calculate_MedR(): flatten, L2-normalize (torch F.normalize eps=1e-12)
    flat = e.reshape(e.shape[0], -1)
    norms = jnp.linalg.norm(flat, axis=1, keepdims=True)
    normed = flat / jnp.maximum(norms, 1e-12)
    # full cosine distance matrix: 1 - E E^T
    allCosineDistances = 1.0 - jnp.matmul(normed, normed.T)
    N = flat.shape[0]
    anchors = jnp.arange(N // 3) * 3
    # self-distance set to -1 so the anchor sorts first
    allCosineDistances = allCosineDistances.at[anchors, anchors].set(-1.0)
    # rank of each column within each anchor row (vectorized equivalent of
    # argsort + .index(...) in the original loop)
    anchor_rows = allCosineDistances[anchors]  # [N/3, N]
    rank_of = jnp.argsort(jnp.argsort(anchor_rows, axis=1), axis=1)
    positive_ranks = rank_of[jnp.arange(N // 3), anchors + 1] - 1
    MedR = jnp.mean(positive_ranks.astype(jnp.float32))
    return allCosineDistances, positive_ranks, MedR

if __name__ == "__main__":
    import jax
    _d = setup_inputs()
    print(jax.jit(kernel)(*tuple(_d.values())))

</pallas_src>

<mosaic_0001>
#map = affine_map<(d0, d1) -> (0, 0)>
#map1 = affine_map<(d0, d1) -> (0)>
module attributes {stable_mosaic.version = 14 : i64} {
  func.func @gather_k(%arg0: i32, %arg1: i32, %arg2: memref<3072x1024xf32, #tpu.memory_space<hbm>>, %arg3: memref<3072xi32, #tpu.memory_space<hbm>>, %arg4: memref<3072x1024xf32, #tpu.memory_space<hbm>>, %arg5: memref<96xi32, #tpu.memory_space<vmem>>, %arg6: memref<96x1024xf32, #tpu.memory_space<vmem>>, %arg7: memref<!tpu.dma_semaphore, #tpu.memory_space<semaphore_mem>>, %arg8: memref<!tpu.dma_semaphore, #tpu.memory_space<semaphore_mem>>, %arg9: memref<!tpu.dma_semaphore, #tpu.memory_space<semaphore_mem>>, %arg10: memref<!tpu.dma_semaphore, #tpu.memory_space<semaphore_mem>>) attributes {dimension_semantics = [#tpu.dimension_semantics<core_parallel>, #tpu.dimension_semantics<subcore_parallel>], iteration_bounds = array<i64: 2, 16>, scalar_prefetch = 0 : i64, scratch_operands = 6 : i64, tpu.core_type = #tpu.core_type<sc_vector_subcore>, window_params = [{transform_indices = #map}, {transform_indices = #map1}, {transform_indices = #map}]} {
    %mul3A = arith.constant 2 : i32
    %mul3A_0 = arith.muli %arg1, %mul3A : i32
    %add3A = arith.addi %mul3A_0, %arg0 : i32
    %mul3A_1 = arith.constant 96 : i32
    %mul3A_2 = arith.muli %add3A, %mul3A_1 : i32
    "tpu.region"() ({
      %run_scoped3A = tpu.sem_alloc : memref<!tpu.dma_semaphore, #tpu.memory_space<semaphore_mem>>
      %dma_start3A_75 = tpu.memref_slice %arg3[%mul3A_2] : memref<3072xi32, #tpu.memory_space<hbm>> -> memref<96xi32, #tpu.memory_space<hbm>>
      %dma_start3A_76 = tpu.memref_slice %arg3[%mul3A_2] : memref<3072xi32, #tpu.memory_space<hbm>> -> memref<96xi32, #tpu.memory_space<hbm>>
      tpu.enqueue_dma source(%dma_start3A_76 : memref<96xi32, #tpu.memory_space<hbm>>) target(%arg5 : memref<96xi32, #tpu.memory_space<vmem>>) target_semaphore(%run_scoped3A : memref<!tpu.dma_semaphore, #tpu.memory_space<semaphore_mem>>)
      %dma_wait3A_77 = tpu.memref_slice %arg3[%mul3A_2] : memref<3072xi32, #tpu.memory_space<hbm>> -> memref<96xi32, #tpu.memory_space<hbm>>
      %dma_wait3A_78 = tpu.memref_slice %arg3[%mul3A_2] : memref<3072xi32, #tpu.memory_space<hbm>> -> memref<96xi32, #tpu.memory_space<hbm>>
      tpu.wait_dma2 semaphore(%run_scoped3A : memref<!tpu.dma_semaphore, #tpu.memory_space<semaphore_mem>>) src(%dma_wait3A_78 : memref<96xi32, #tpu.memory_space<hbm>>) dst(%arg5 : memref<96xi32, #tpu.memory_space<vmem>>)
      tpu.yield
    }) : () -> ()
    %dma_start3A = arith.constant 0 : i32
    %dma_start3A_3 = arith.constant 0 : i32
    %dma_start3A_4 = tpu.memref_slice %arg6[%dma_start3A, %dma_start3A_3] : memref<96x1024xf32, #tpu.memory_space<vmem>> -> memref<48x1024xf32, #tpu.memory_space<vmem>>
    %dma_start3A_5 = arith.constant 0 : i32
    %dma_start3A_6 = tpu.memref_slice %arg5[%dma_start3A_5] : memref<96xi32, #tpu.memory_space<vmem>> -> memref<48xi32, #tpu.memory_space<vmem>>
    %dma_start3A_7 = arith.constant 0 : i32
    %dma_start3A_8 = arith.constant 0 : i32
    %dma_start3A_9 = tpu.memref_slice %arg2[%dma_start3A_7, %dma_start3A_8] : memref<3072x1024xf32, #tpu.memory_space<hbm>> -> memref<3072x1024xf32, #tpu.memory_space<hbm>>
    tpu.enqueue_indirect_dma source(%dma_start3A_9 : memref<3072x1024xf32, #tpu.memory_space<hbm>>) target(%dma_start3A_4 : memref<48x1024xf32, #tpu.memory_space<vmem>>) offsets(%dma_start3A_6 : memref<48xi32, #tpu.memory_space<vmem>>) semaphore(%arg7 : memref<!tpu.dma_semaphore, #tpu.memory_space<semaphore_mem>>)
    %dma_start3A_10 = arith.constant 48 : i32
    %dma_start3A_11 = arith.constant 0 : i32
    %dma_start3A_12 = tpu.memref_slice %arg6[%dma_start3A_10, %dma_start3A_11] : memref<96x1024xf32, #tpu.memory_space<vmem>> -> memref<48x1024xf32, #tpu.memory_space<vmem>>
    %dma_start3A_13 = arith.constant 48 : i32
    %dma_start3A_14 = tpu.memref_slice %arg5[%dma_start3A_13] : memref<96xi32, #tpu.memory_space<vmem>> -> memref<48xi32, #tpu.memory_space<vmem>>
    %dma_start3A_15 = arith.constant 0 : i32
    %dma_start3A_16 = arith.constant 0 : i32
    %dma_start3A_17 = tpu.memref_slice %arg2[%dma_start3A_15, %dma_start3A_16] : memref<3072x1024xf32, #tpu.memory_space<hbm>> -> memref<3072x1024xf32, #tpu.memory_space<hbm>>
    tpu.enqueue_indirect_dma source(%dma_start3A_17 : memref<3072x1024xf32, #tpu.memory_space<hbm>>) target(%dma_start3A_12 : memref<48x1024xf32, #tpu.memory_space<vmem>>) offsets(%dma_start3A_14 : memref<48xi32, #tpu.memory_space<vmem>>) semaphore(%arg8 : memref<!tpu.dma_semaphore, #tpu.memory_space<semaphore_mem>>)
    %dma_wait3A = arith.constant 0 : i32
    %dma_wait3A_18 = arith.constant 0 : i32
    %dma_wait3A_19 = tpu.memref_slice %arg6[%dma_wait3A, %dma_wait3A_18] : memref<96x1024xf32, #tpu.memory_space<vmem>> -> memref<48x1024xf32, #tpu.memory_space<vmem>>
    %dma_wait3A_20 = arith.constant 0 : i32
    %dma_wait3A_21 = tpu.memref_slice %arg5[%dma_wait3A_20] : memref<96xi32, #tpu.memory_space<vmem>> -> memref<48xi32, #tpu.memory_space<vmem>>
    %dma_wait3A_22 = arith.constant 0 : i32
    %dma_wait3A_23 = arith.constant 0 : i32
    %dma_wait3A_24 = tpu.memref_slice %arg2[%dma_wait3A_22, %dma_wait3A_23] : memref<3072x1024xf32, #tpu.memory_space<hbm>> -> memref<3072x1024xf32, #tpu.memory_space<hbm>>
    tpu.wait_indirect_dma semaphore(%arg7 : memref<!tpu.dma_semaphore, #tpu.memory_space<semaphore_mem>>) src(%dma_wait3A_24 : memref<3072x1024xf32, #tpu.memory_space<hbm>>) dst(%dma_wait3A_19 : memref<48x1024xf32, #tpu.memory_space<vmem>>)
    %dma_start3A_25 = arith.constant 0 : i32
    %dma_start3A_26 = arith.constant 0 : i32
    %dma_start3A_27 = tpu.memref_slice %arg6[%dma_start3A_25, %dma_start3A_26] : memref<96x1024xf32, #tpu.memory_space<vmem>> -> memref<48x1024xf32, #tpu.memory_space<vmem>>
    %dma_start3A_28 = arith.constant 0 : i32
    %dma_start3A_29 = tpu.memref_slice %arg4[%mul3A_2, %dma_start3A_28] : memref<3072x1024xf32, #tpu.memory_space<hbm>> -> memref<48x1024xf32, #tpu.memory_space<hbm>>
    %dma_start3A_30 = arith.constant 0 : i32
    %dma_start3A_31 = tpu.memref_slice %arg4[%mul3A_2, %dma_start3A_30] : memref<3072x1024xf32, #tpu.memory_space<hbm>> -> memref<48x1024xf32, #tpu.memory_space<hbm>>
    %dma_start3A_32 = arith.constant 0 : i32
    %dma_start3A_33 = arith.constant 0 : i32
    %dma_start3A_34 = tpu.memref_slice %arg6[%dma_start3A_32, %dma_start3A_33] : memref<96x1024xf32, #tpu.memory_space<vmem>> -> memref<48x1024xf32, #tpu.memory_space<vmem>>
    tpu.enqueue_dma source(%dma_start3A_34 : memref<48x1024xf32, #tpu.memory_space<vmem>>) target(%dma_start3A_31 : memref<48x1024xf32, #tpu.memory_space<hbm>>) target_semaphore(%arg9 : memref<!tpu.dma_semaphore, #tpu.memory_space<semaphore_mem>>)
    %dma_wait3A_35 = arith.constant 48 : i32
    %dma_wait3A_36 = arith.constant 0 : i32
    %dma_wait3A_37 = tpu.memref_slice %arg6[%dma_wait3A_35, %dma_wait3A_36] : memref<96x1024xf32, #tpu.memory_space<vmem>> -> memref<48x1024xf32, #tpu.memory_space<vmem>>
    %dma_wait3A_38 = arith.constant 48 : i32
    %dma_wait3A_39 = tpu.memref_slice %arg5[%dma_wait3A_38] : memref<96xi32, #tpu.memory_space<vmem>> -> memref<48xi32, #tpu.memory_space<vmem>>
    %dma_wait3A_40 = arith.constant 0 : i32
    %dma_wait3A_41 = arith.constant 0 : i32
    %dma_wait3A_42 = tpu.memref_slice %arg2[%dma_wait3A_40, %dma_wait3A_41] : memref<3072x1024xf32, #tpu.memory_space<hbm>> -> memref<3072x1024xf32, #tpu.memory_space<hbm>>
    tpu.wait_indirect_dma semaphore(%arg8 : memref<!tpu.dma_semaphore, #tpu.memory_space<semaphore_mem>>) src(%dma_wait3A_42 : memref<3072x1024xf32, #tpu.memory_space<hbm>>) dst(%dma_wait3A_37 : memref<48x1024xf32, #tpu.memory_space<vmem>>)
    %add3A_43 = arith.constant 48 : i32
    %add3A_44 = arith.addi %mul3A_2, %add3A_43 : i32
    %dma_start3A_45 = arith.constant 48 : i32
    %dma_start3A_46 = arith.constant 0 : i32
    %dma_start3A_47 = tpu.memref_slice %arg6[%dma_start3A_45, %dma_start3A_46] : memref<96x1024xf32, #tpu.memory_space<vmem>> -> memref<48x1024xf32, #tpu.memory_space<vmem>>
    %dma_start3A_48 = arith.constant 0 : i32
    %dma_start3A_49 = tpu.memref_slice %arg4[%add3A_44, %dma_start3A_48] : memref<3072x1024xf32, #tpu.memory_space<hbm>> -> memref<48x1024xf32, #tpu.memory_space<hbm>>
    %dma_start3A_50 = arith.constant 0 : i32
    %dma_start3A_51 = tpu.memref_slice %arg4[%add3A_44, %dma_start3A_50] : memref<3072x1024xf32, #tpu.memory_space<hbm>> -> memref<48x1024xf32, #tpu.memory_space<hbm>>
    %dma_start3A_52 = arith.constant 48 : i32
    %dma_start3A_53 = arith.constant 0 : i32
    %dma_start3A_54 = tpu.memref_slice %arg6[%dma_start3A_52, %dma_start3A_53] : memref<96x1024xf32, #tpu.memory_space<vmem>> -> memref<48x1024xf32, #tpu.memory_space<vmem>>
    tpu.enqueue_dma source(%dma_start3A_54 : memref<48x1024xf32, #tpu.memory_space<vmem>>) target(%dma_start3A_51 : memref<48x1024xf32, #tpu.memory_space<hbm>>) target_semaphore(%arg10 : memref<!tpu.dma_semaphore, #tpu.memory_space<semaphore_mem>>)
    %dma_wait3A_55 = arith.constant 0 : i32
    %dma_wait3A_56 = arith.constant 0 : i32
    %dma_wait3A_57 = tpu.memref_slice %arg6[%dma_wait3A_55, %dma_wait3A_56] : memref<96x1024xf32, #tpu.memory_space<vmem>> -> memref<48x1024xf32, #tpu.memory_space<vmem>>
    %dma_wait3A_58 = arith.constant 0 : i32
    %dma_wait3A_59 = tpu.memref_slice %arg4[%mul3A_2, %dma_wait3A_58] : memref<3072x1024xf32, #tpu.memory_space<hbm>> -> memref<48x1024xf32, #tpu.memory_space<hbm>>
    %dma_wait3A_60 = arith.constant 0 : i32
    %dma_wait3A_61 = tpu.memref_slice %arg4[%mul3A_2, %dma_wait3A_60] : memref<3072x1024xf32, #tpu.memory_space<hbm>> -> memref<48x1024xf32, #tpu.memory_space<hbm>>
    %dma_wait3A_62 = arith.constant 0 : i32
    %dma_wait3A_63 = arith.constant 0 : i32
    %dma_wait3A_64 = tpu.memref_slice %arg6[%dma_wait3A_62, %dma_wait3A_63] : memref<96x1024xf32, #tpu.memory_space<vmem>> -> memref<48x1024xf32, #tpu.memory_space<vmem>>
    tpu.wait_dma2 semaphore(%arg9 : memref<!tpu.dma_semaphore, #tpu.memory_space<semaphore_mem>>) src(%dma_wait3A_64 : memref<48x1024xf32, #tpu.memory_space<vmem>>) dst(%dma_wait3A_61 : memref<48x1024xf32, #tpu.memory_space<hbm>>)
    %dma_wait3A_65 = arith.constant 48 : i32
    %dma_wait3A_66 = arith.constant 0 : i32
    %dma_wait3A_67 = tpu.memref_slice %arg6[%dma_wait3A_65, %dma_wait3A_66] : memref<96x1024xf32, #tpu.memory_space<vmem>> -> memref<48x1024xf32, #tpu.memory_space<vmem>>
    %dma_wait3A_68 = arith.constant 0 : i32
    %dma_wait3A_69 = tpu.memref_slice %arg4[%add3A_44, %dma_wait3A_68] : memref<3072x1024xf32, #tpu.memory_space<hbm>> -> memref<48x1024xf32, #tpu.memory_space<hbm>>
    %dma_wait3A_70 = arith.constant 0 : i32
    %dma_wait3A_71 = tpu.memref_slice %arg4[%add3A_44, %dma_wait3A_70] : memref<3072x1024xf32, #tpu.memory_space<hbm>> -> memref<48x1024xf32, #tpu.memory_space<hbm>>
    %dma_wait3A_72 = arith.constant 48 : i32
    %dma_wait3A_73 = arith.constant 0 : i32
    %dma_wait3A_74 = tpu.memref_slice %arg6[%dma_wait3A_72, %dma_wait3A_73] : memref<96x1024xf32, #tpu.memory_space<vmem>> -> memref<48x1024xf32, #tpu.memory_space<vmem>>
    tpu.wait_dma2 semaphore(%arg10 : memref<!tpu.dma_semaphore, #tpu.memory_space<semaphore_mem>>) src(%dma_wait3A_74 : memref<48x1024xf32, #tpu.memory_space<vmem>>) dst(%dma_wait3A_71 : memref<48x1024xf32, #tpu.memory_space<hbm>>)
    return
  }
}

module attributes {stable_mosaic.version = 14 : i64} {
  func.func @_fused_body(%arg0: i32, %arg1: memref<768x1024xf32, #tpu.memory_space<vmem>>, %arg2: memref<768x3072xf32, #tpu.memory_space<vmem>>, %arg3: memref<256x1xi32, #tpu.memory_space<vmem>>, %arg4: memref<1x1xf32, #tpu.memory_space<smem>>, %arg5: memref<3072x1024xbf16, #tpu.memory_space<vmem>>, %arg6: memref<1024x1024xbf16, #tpu.memory_space<vmem>>) attributes {dimension_semantics = [#tpu.dimension_semantics<arbitrary>], iteration_bounds = array<i64: 8>, scalar_prefetch = 0 : i64, scratch_operands = 2 : i64, tpu.core_type = #tpu.core_type<tc>, window_params = [{transform_indices = @transform_0, window_bounds = array<i64: 768, 1024>}, {transform_indices = @transform_1, window_bounds = array<i64: 768, 3072>}, {transform_indices = @transform_2, window_bounds = array<i64: 256, 1>}, {transform_indices = @transform_3, window_bounds = array<i64: 1, 1>}]} {
    %lt3A = arith.constant 4 : i32
    %lt3A_0 = arith.cmpi slt, %arg0, %lt3A : i32
    %convert_element_type3A = arith.extui %lt3A_0 : i1 to i32
    %cond3A = arith.constant 0 : i32
    %cond3A_1 = arith.cmpi ne, %convert_element_type3A, %cond3A : i32
    scf.if %cond3A_1 {
      %get3A = arith.constant 0 : index
      %get3A_6 = arith.constant 0 : index
      %get3A_7 = vector.load %arg1[%get3A, %get3A_6] : memref<768x1024xf32, #tpu.memory_space<vmem>>, vector<768x1024xf32>
      %mul3A = arith.mulf %get3A_7, %get3A_7 : vector<768x1024xf32>
      %reduce_sum3A = arith.constant dense<0.000000e+00> : vector<768xf32>
      %reduce_sum3A_8 = vector.multi_reduction <add>, %mul3A, %reduce_sum3A [1] : vector<768x1024xf32> to vector<768xf32>
      %broadcast_in_dim3A = vector.shape_cast %reduce_sum3A_8 : vector<768xf32> to vector<768x1xf32>
      %sqrt3A = math.sqrt %broadcast_in_dim3A : vector<768x1xf32>
      %max3A = arith.constant 9.99999996E-13 : f32
      %max3A_9 = vector.broadcast %max3A : f32 to vector<768x1xf32>
      %max3A_10 = arith.maximumf %sqrt3A, %max3A_9 : vector<768x1xf32>
      %div3A = vector.broadcast %max3A_10 : vector<768x1xf32> to vector<768x1024xf32>
      %div3A_11 = arith.divf %get3A_7, %div3A : vector<768x1024xf32>
      %convert_element_type3A_12 = arith.truncf %div3A_11 : vector<768x1024xf32> to vector<768x1024xbf16>
      %mul3A_13 = arith.constant 768 : i32
      %mul3A_14 = arith.muli %arg0, %mul3A_13 : i32
      %swap3A = arith.index_cast %mul3A_14 : i32 to index
      %swap3A_15 = arith.constant 0 : index
      %swap3A_16 = vector.load %arg5[%swap3A, %swap3A_15] : memref<3072x1024xbf16, #tpu.memory_space<vmem>>, vector<768x1024xbf16>
      tpu.vector_store %arg5[%swap3A, %swap3A_15], %convert_element_type3A_12 {strides = array<i32>} : memref<3072x1024xbf16, #tpu.memory_space<vmem>>, vector<768x1024xbf16>,
      %iota3A = tpu.iota {dimensions = array<i32: 0>} : vector<256x768xi32>
      %iota3A_17 = tpu.iota {dimensions = array<i32: 1>} : vector<256x768xi32>
      %mul3A_18 = arith.constant 3 : i32
      %mul3A_19 = vector.broadcast %mul3A_18 : i32 to vector<256x768xi32>
      %mul3A_20 = arith.muli %mul3A_19, %iota3A : vector<256x768xi32>
      %eq3A = arith.cmpi eq, %iota3A_17, %mul3A_20 : vector<256x768xi32>
      %convert_element_type3A_21 = arith.extui %eq3A : vector<256x768xi1> to vector<256x768xi32>
      %convert_element_type3A_22 = arith.sitofp %convert_element_type3A_21 : vector<256x768xi32> to vector<256x768xf32>
      %convert_element_type3A_23 = arith.truncf %convert_element_type3A_22 : vector<256x768xf32> to vector<256x768xbf16>
      %dot_general3A = arith.constant dense<0.000000e+00> : vector<256x1024xf32>
      %dot_general3A_24 = tpu.matmul %convert_element_type3A_23, %convert_element_type3A_12, %dot_general3A {dimension_numbers = #tpu.dot_dimension_numbers<[1], [0], [0], [1], [0, 0, 1, 1], [], []>, transpose_lhs_hint = false} : vector<256x768xbf16>, vector<768x1024xbf16>, vector<256x1024xf32> -> vector<256x1024xf32>
      %convert_element_type3A_25 = arith.truncf %dot_general3A_24 : vector<256x1024xf32> to vector<256x1024xbf16>
      %mul3A_26 = arith.constant 256 : i32
      %mul3A_27 = arith.muli %arg0, %mul3A_26 : i32
      %swap3A_28 = arith.index_cast %mul3A_27 : i32 to index
      %swap3A_29 = arith.constant 0 : index
      %swap3A_30 = vector.load %arg6[%swap3A_28, %swap3A_29] : memref<1024x1024xbf16, #tpu.memory_space<vmem>>, vector<256x1024xbf16>
      tpu.vector_store %arg6[%swap3A_28, %swap3A_29], %convert_element_type3A_25 {strides = array<i32>} : memref<1024x1024xbf16, #tpu.memory_space<vmem>>, vector<256x1024xbf16>,
    } else {
    }
    %ge3A = arith.constant 4 : i32
    %ge3A_2 = arith.cmpi sge, %arg0, %ge3A : i32
    %convert_element_type3A_3 = arith.extui %ge3A_2 : i1 to i32
    %cond3A_4 = arith.constant 0 : i32
    %cond3A_5 = arith.cmpi ne, %convert_element_type3A_3, %cond3A_4 : i32
    scf.if %cond3A_5 {
      %sub3A = arith.constant 4 : i32
      %sub3A_6 = arith.subi %arg0, %sub3A : i32
      %mul3A = arith.constant 768 : i32
      %mul3A_7 = arith.muli %sub3A_6, %mul3A : i32
      %get3A = arith.index_cast %mul3A_7 : i32 to index
      %get3A_8 = arith.constant 0 : index
      %get3A_9 = vector.load %arg5[%get3A, %get3A_8] : memref<3072x1024xbf16, #tpu.memory_space<vmem>>, vector<768x1024xbf16>
      %get3A_10 = arith.constant 0 : index
      %get3A_11 = arith.constant 0 : index
      %get3A_12 = vector.load %arg5[%get3A_10, %get3A_11] : memref<3072x1024xbf16, #tpu.memory_space<vmem>>, vector<3072x1024xbf16>
      %dot_general3A = arith.constant dense<0.000000e+00> : vector<768x3072xf32>
      %dot_general3A_13 = tpu.matmul %get3A_9, %get3A_12, %dot_general3A {dimension_numbers = #tpu.dot_dimension_numbers<[1], [1], [0], [0], [0, 0, 1, 0], [], []>, transpose_lhs_hint = false} : vector<768x1024xbf16>, vector<3072x1024xbf16>, vector<768x3072xf32> -> vector<768x3072xf32>
      %sub3A_14 = arith.constant 1.000000e+00 : f32
      %sub3A_15 = vector.broadcast %sub3A_14 : f32 to vector<768x3072xf32>
      %sub3A_16 = arith.subf %sub3A_15, %dot_general3A_13 : vector<768x3072xf32>
      %swap3A = arith.constant 0 : index
      %swap3A_17 = arith.constant 0 : index
      %swap3A_18 = vector.load %arg2[%swap3A, %swap3A_17] : memref<768x3072xf32, #tpu.memory_space<vmem>>, vector<768x3072xf32>
      tpu.vector_store %arg2[%swap3A, %swap3A_17], %sub3A_16 {strides = array<i32>} : memref<768x3072xf32, #tpu.memory_space<vmem>>, vector<768x3072xf32>,
      %iota3A = tpu.iota {dimensions = array<i32: 0>} : vector<768x768xi32>
      %iota3A_19 = tpu.iota {dimensions = array<i32: 1>} : vector<768x768xi32>
      %get3A_20 = arith.constant 0 : index
      %get3A_21 = arith.index_cast %mul3A_7 : i32 to index
      %get3A_22 = vector.load %arg2[%get3A_20, %get3A_21] : memref<768x3072xf32, #tpu.memory_space<vmem>>, vector<768x768xf32>
      %jit3A = arith.constant 3 : i32
      %eq3A = arith.constant 0 : i32
      %eq3A_23 = arith.cmpi eq, %jit3A, %eq3A : i32
      %jit3A_24 = arith.constant 1 : i32
      %select_n3A = arith.select %eq3A_23, %jit3A_24, %jit3A : i32
      %rem3A = vector.broadcast %select_n3A : i32 to vector<768x768xi32>
      %rem3A_25 = arith.remsi %iota3A, %rem3A : vector<768x768xi32>
      %ne3A = arith.constant 0 : i32
      %ne3A_26 = vector.broadcast %ne3A : i32 to vector<768x768xi32>
      %ne3A_27 = arith.cmpi ne, %rem3A_25, %ne3A_26 : vector<768x768xi32>
      %lt3A_28 = arith.constant 0 : i32
      %lt3A_29 = vector.broadcast %lt3A_28 : i32 to vector<768x768xi32>
      %lt3A_30 = arith.cmpi slt, %rem3A_25, %lt3A_29 : vector<768x768xi32>
      %lt3A_31 = arith.constant 0 : i32
      %lt3A_32 = arith.cmpi slt, %select_n3A, %lt3A_31 : i32
      %ne3A_33 = vector.broadcast %lt3A_32 : i1 to vector<768x768xi1>
      %ne3A_34 = vector.broadcast %ne3A_33 : vector<768x768xi1> to vector<768x768xi1>
      %ne3A_35 = arith.xori %lt3A_30, %ne3A_34 : vector<768x768xi1>
      %and3A = arith.andi %ne3A_35, %ne3A_27 : vector<768x768xi1>
      %add3A = vector.broadcast %select_n3A : i32 to vector<768x768xi32>
      %add3A_36 = arith.addi %rem3A_25, %add3A : vector<768x768xi32>
      %select_n3A_37 = arith.select %and3A, %add3A_36, %rem3A_25 : vector<768x768xi1>, vector<768x768xi32>
      %eq3A_38 = arith.constant 0 : i32
      %eq3A_39 = vector.broadcast %eq3A_38 : i32 to vector<768x768xi32>
      %eq3A_40 = arith.cmpi eq, %select_n3A_37, %eq3A_39 : vector<768x768xi32>
      %eq3A_41 = arith.cmpi eq, %iota3A_19, %iota3A : vector<768x768xi32>
      %and3A_42 = arith.andi %eq3A_40, %eq3A_41 : vector<768x768xi1>
      %jit3A_43 = arith.constant -1.000000e+00 : f32
      %broadcast_in_dim3A = vector.broadcast %jit3A_43 : f32 to vector<768x768xf32>
      %select_n3A_44 = arith.select %and3A_42, %broadcast_in_dim3A, %get3A_22 : vector<768x768xi1>, vector<768x768xf32>
      %swap3A_45 = arith.constant 0 : index
      %swap3A_46 = arith.index_cast %mul3A_7 : i32 to index
      %swap3A_47 = vector.load %arg2[%swap3A_45, %swap3A_46] : memref<768x3072xf32, #tpu.memory_space<vmem>>, vector<768x768xf32>
      tpu.vector_store %arg2[%swap3A_45, %swap3A_46], %select_n3A_44 {strides = array<i32>} : memref<768x3072xf32, #tpu.memory_space<vmem>>, vector<768x768xf32>,
      %mul3A_48 = arith.constant 256 : i32
      %mul3A_49 = arith.muli %sub3A_6, %mul3A_48 : i32
      %get3A_50 = arith.index_cast %mul3A_49 : i32 to index
      %get3A_51 = arith.constant 0 : index
      %get3A_52 = vector.load %arg6[%get3A_50, %get3A_51] : memref<1024x1024xbf16, #tpu.memory_space<vmem>>, vector<256x1024xbf16>
      %dot_general3A_53 = arith.constant dense<0.000000e+00> : vector<256x3072xf32>
      %dot_general3A_54 = tpu.matmul %get3A_52, %get3A_12, %dot_general3A_53 {dimension_numbers = #tpu.dot_dimension_numbers<[1], [1], [0], [0], [0, 0, 1, 0], [], []>, transpose_lhs_hint = false} : vector<256x1024xbf16>, vector<3072x1024xbf16>, vector<256x3072xf32> -> vector<256x3072xf32>
      %sub3A_55 = arith.constant 1.000000e+00 : f32
      %sub3A_56 = vector.broadcast %sub3A_55 : f32 to vector<256x3072xf32>
      %sub3A_57 = arith.subf %sub3A_56, %dot_general3A_54 : vector<256x3072xf32>
      %iota3A_58 = tpu.iota {dimensions = array<i32: 1>} : vector<256x3072xi32>
      %iota3A_59 = tpu.iota {dimensions = array<i32: 0>} : vector<256x1xi32>
      %mul3A_60 = arith.constant 3 : i32
      %mul3A_61 = vector.broadcast %mul3A_60 : i32 to vector<256x1xi32>
      %mul3A_62 = arith.muli %mul3A_61, %iota3A_59 : vector<256x1xi32>
      %add3A_63 = vector.broadcast %mul3A_7 : i32 to vector<256x1xi32>
      %add3A_64 = arith.addi %add3A_63, %mul3A_62 : vector<256x1xi32>
      %add3A_65 = arith.constant 1 : i32
      %add3A_66 = vector.broadcast %add3A_65 : i32 to vector<256x1xi32>
      %add3A_67 = arith.addi %add3A_64, %add3A_66 : vector<256x1xi32>
      %eq3A_68 = vector.broadcast %add3A_64 : vector<256x1xi32> to vector<256x3072xi32>
      %eq3A_69 = arith.cmpi eq, %iota3A_58, %eq3A_68 : vector<256x3072xi32>
      %jit3A_70 = arith.constant -1.000000e+00 : f32
      %broadcast_in_dim3A_71 = vector.broadcast %jit3A_70 : f32 to vector<256x3072xf32>
      %select_n3A_72 = arith.select %eq3A_69, %broadcast_in_dim3A_71, %sub3A_57 : vector<256x3072xi1>, vector<256x3072xf32>
      %eq3A_73 = vector.broadcast %add3A_67 : vector<256x1xi32> to vector<256x3072xi32>
      %eq3A_74 = arith.cmpi eq, %iota3A_58, %eq3A_73 : vector<256x3072xi32>
      %jit3A_75 = arith.constant 0.000000e+00 : f32
      %broadcast_in_dim3A_76 = vector.broadcast %jit3A_75 : f32 to vector<256x3072xf32>
      %select_n3A_77 = arith.select %eq3A_74, %select_n3A_72, %broadcast_in_dim3A_76 : vector<256x3072xi1>, vector<256x3072xf32>
      %reduce_sum3A = arith.constant dense<0.000000e+00> : vector<256xf32>
      %reduce_sum3A_78 = vector.multi_reduction <add>, %select_n3A_77, %reduce_sum3A [1] : vector<256x3072xf32> to vector<256xf32>
      %broadcast_in_dim3A_79 = vector.shape_cast %reduce_sum3A_78 : vector<256xf32> to vector<256x1xf32>
      %lt3A_80 = vector.broadcast %broadcast_in_dim3A_79 : vector<256x1xf32> to vector<256x3072xf32>
      %lt3A_81 = arith.cmpf olt, %select_n3A_72, %lt3A_80 : vector<256x3072xf32>
      %convert_element_type3A_82 = arith.extui %lt3A_81 : vector<256x3072xi1> to vector<256x3072xi32>
      %convert_element_type3A_83 = arith.sitofp %convert_element_type3A_82 : vector<256x3072xi32> to vector<256x3072xf32>
      %reduce_sum3A_84 = arith.constant dense<0.000000e+00> : vector<256xf32>
      %reduce_sum3A_85 = vector.multi_reduction <add>, %convert_element_type3A_83, %reduce_sum3A_84 [1] : vector<256x3072xf32> to vector<256xf32>
      %broadcast_in_dim3A_86 = vector.shape_cast %reduce_sum3A_85 : vector<256xf32> to vector<256x1xf32>
      %eq3A_87 = vector.broadcast %broadcast_in_dim3A_79 : vector<256x1xf32> to vector<256x3072xf32>
      %eq3A_88 = arith.cmpf oeq, %select_n3A_72, %eq3A_87 : vector<256x3072xf32>
      %lt3A_89 = vector.broadcast %add3A_67 : vector<256x1xi32> to vector<256x3072xi32>
      %lt3A_90 = arith.cmpi slt, %iota3A_58, %lt3A_89 : vector<256x3072xi32>
      %and3A_91 = arith.andi %eq3A_88, %lt3A_90 : vector<256x3072xi1>
      %convert_element_type3A_92 = arith.extui %and3A_91 : vector<256x3072xi1> to vector<256x3072xi32>
      %convert_element_type3A_93 = arith.sitofp %convert_element_type3A_92 : vector<256x3072xi32> to vector<256x3072xf32>
      %reduce_sum3A_94 = arith.constant dense<0.000000e+00> : vector<256xf32>
      %reduce_sum3A_95 = vector.multi_reduction <add>, %convert_element_type3A_93, %reduce_sum3A_94 [1] : vector<256x3072xf32> to vector<256xf32>
      %broadcast_in_dim3A_96 = vector.shape_cast %reduce_sum3A_95 : vector<256xf32> to vector<256x1xf32>
      %add3A_97 = arith.addf %broadcast_in_dim3A_86, %broadcast_in_dim3A_96 : vector<256x1xf32>
      %sub3A_98 = arith.constant 1.000000e+00 : f32
      %sub3A_99 = vector.broadcast %sub3A_98 : f32 to vector<256x1xf32>
      %sub3A_100 = arith.subf %add3A_97, %sub3A_99 : vector<256x1xf32>
      %convert_element_type3A_101 = arith.fptosi %sub3A_100 : vector<256x1xf32> to vector<256x1xi32>
      %swap3A_102 = arith.constant 0 : index
      %swap3A_103 = arith.constant 0 : index
      %swap3A_104 = vector.load %arg3[%swap3A_102, %swap3A_103] : memref<256x1xi32, #tpu.memory_space<vmem>>, vector<256x1xi32>
      tpu.vector_store %arg3[%swap3A_102, %swap3A_103], %convert_element_type3A_101 {strides = array<i32>} : memref<256x1xi32, #tpu.memory_space<vmem>>, vector<256x1xi32>,
      %reduce_sum3A_105 = vector.shape_cast %sub3A_100 : vector<256x1xf32> to vector<1x256x1xf32>
      %reduce_sum3A_106 = arith.constant dense<0.000000e+00> : vector<1xf32>
      %reduce_sum3A_107 = vector.multi_reduction <add>, %reduce_sum3A_105, %reduce_sum3A_106 [1, 2] : vector<1x256x1xf32> to vector<1xf32>
      %reduce_sum3A_108 = vector.shape_cast %reduce_sum3A_107 : vector<1xf32> to vector<1x1x1xf32>
      %reduce_sum3A_109 = vector.extract %reduce_sum3A_108[0, 0, 0] : f32 from vector<1x1x1xf32>
      %eq3A_110 = arith.constant 0 : i32
      %eq3A_111 = arith.cmpi eq, %sub3A_6, %eq3A_110 : i32
      %convert_element_type3A_112 = arith.extui %eq3A_111 : i1 to i32
      %cond3A_113 = arith.constant 0 : i32
      %cond3A_114 = arith.cmpi ne, %convert_element_type3A_112, %cond3A_113 : i32
      scf.if %cond3A_114 {
        %swap3A_124 = arith.constant 0 : index
        %swap3A_125 = arith.constant 0 : index
        %swap3A_126 = memref.load %arg4[%swap3A_124, %swap3A_125] : memref<1x1xf32, #tpu.memory_space<smem>>
        memref.store %reduce_sum3A_109, %arg4[%swap3A_124, %swap3A_125] : memref<1x1xf32, #tpu.memory_space<smem>>
      } else {
      }
      %gt3A = arith.constant 0 : i32
      %gt3A_115 = arith.cmpi sgt, %sub3A_6, %gt3A : i32
      %convert_element_type3A_116 = arith.extui %gt3A_115 : i1 to i32
      %cond3A_117 = arith.constant 0 : i32
      %cond3A_118 = arith.cmpi ne, %convert_element_type3A_116, %cond3A_117 : i32
      scf.if %cond3A_118 {
        %get3A_124 = arith.constant 0 : index
        %get3A_125 = arith.constant 0 : index
        %get3A_126 = memref.load %arg4[%get3A_124, %get3A_125] : memref<1x1xf32, #tpu.memory_space<smem>>
        %add3A_127 = arith.addf %get3A_126, %reduce_sum3A_109 : f32
        %swap3A_128 = arith.constant 0 : index
        %swap3A_129 = arith.constant 0 : index
        %swap3A_130 = memref.load %arg4[%swap3A_128, %swap3A_129] : memref<1x1xf32, #tpu.memory_space<smem>>
        memref.store %add3A_127, %arg4[%swap3A_128, %swap3A_129] : memref<1x1xf32, #tpu.memory_space<smem>>
      } else {
      }
      %eq3A_119 = arith.constant 3 : i32
      %eq3A_120 = arith.cmpi eq, %sub3A_6, %eq3A_119 : i32
      %convert_element_type3A_121 = arith.extui %eq3A_120 : i1 to i32
      %cond3A_122 = arith.constant 0 : i32
      %cond3A_123 = arith.cmpi ne, %convert_element_type3A_121, %cond3A_122 : i32
      scf.if %cond3A_123 {
        %get3A_124 = arith.constant 0 : index
        %get3A_125 = arith.constant 0 : index
        %get3A_126 = memref.load %arg4[%get3A_124, %get3A_125] : memref<1x1xf32, #tpu.memory_space<smem>>
        %div3A = arith.constant 1.024000e+03 : f32
        %div3A_127 = arith.divf %get3A_126, %div3A : f32
        %swap3A_128 = arith.constant 0 : index
        %swap3A_129 = arith.constant 0 : index
        %swap3A_130 = memref.load %arg4[%swap3A_128, %swap3A_129] : memref<1x1xf32, #tpu.memory_space<smem>>
        memref.store %div3A_127, %arg4[%swap3A_128, %swap3A_129] : memref<1x1xf32, #tpu.memory_space<smem>>
      } else {
      }
    } else {
    }
    return
  }
  func.func @transform_0(%arg0: i32) -> (i32, i32) {
    %min3A = arith.constant 3 : i32
    %min3A_0 = arith.minsi %arg0, %min3A : i32
    %c0_i32 = arith.constant 0 : i32
    %c0_i32_1 = arith.constant 0 : i32
    return %min3A_0, %c0_i32 : i32, i32
  }
  func.func @transform_1(%arg0: i32) -> (i32, i32) {
    %sub3A = arith.constant 4 : i32
    %sub3A_0 = arith.subi %arg0, %sub3A : i32
    %max3A = arith.constant 0 : i32
    %max3A_1 = arith.maxsi %sub3A_0, %max3A : i32
    %c0_i32 = arith.constant 0 : i32
    %c0_i32_2 = arith.constant 0 : i32
    return %max3A_1, %c0_i32 : i32, i32
  }
  func.func @transform_2(%arg0: i32) -> (i32, i32) {
    %sub3A = arith.constant 4 : i32
    %sub3A_0 = arith.subi %arg0, %sub3A : i32
    %max3A = arith.constant 0 : i32
    %max3A_1 = arith.maxsi %sub3A_0, %max3A : i32
    %c0_i32 = arith.constant 0 : i32
    %c0_i32_2 = arith.constant 0 : i32
    return %max3A_1, %c0_i32 : i32, i32
  }
  func.func @transform_3(%arg0: i32) -> (i32, i32) {
    %c0_i32 = arith.constant 0 : i32
    %c0_i32_0 = arith.constant 0 : i32
    %c0_i32_1 = arith.constant 0 : i32
    return %c0_i32, %c0_i32_0 : i32, i32
  }
}

</mosaic_0001>

<sc_bundles>
// kernel: kernel.4.cloned.1.call-start
scs
__scs_entry_jumppad:
0x0: {  	(pc) =	sbr.rel $0x88, $3  }
0x1: {  	(tag) =	ssettag $0x0;
	lr =	simm.s32 $0x1  }
0x2: {  	[smem:$0x3F9F] =	sst lr;
	_ =	strace $0xD0000000  }
0x3: {  	_ = 	snop  }
0x4: {  	_ = 	snop  }
0x5: {  	_ = 	snop  }
0x6: {  	_ = 	snop  }
0x7: {  	_ = 	snop  }
__scs_overlays_trampoline_lowered:
0x8: {  	[smem:$0x3FAE] =	sst s0  }
0x9: {  	[smem:$0x3FAF] =	sst s1  }
0xa: {  	[smem:$0x3FB0] =	sst s2  }
0xb: {  	[smem:$0x3FB1] =	sst s3  }
0xc: {  	[smem:$0x3FB2] =	sst s4  }
0xd: {  	[smem:$0x3FB3] =	sst s5  }
0xe: {  	[smem:$0x3FB4] =	sst s6  }
0xf: {  	[smem:$0x3FB5] =	sst s7  }
0x10: {  	[smem:$0x3FB6] =	sst s8  }
0x11: {  	[smem:$0x3FB7] =	sst s9;
	s0 =	simm.s32 @!p0 $0x0  }
0x12: {  	s1 =	sld [smem:$0x3F9D];
	s0 =	simm.s32 @p0 $0x1  }
0x13: {  	[smem:$0x3FB8] =	sst s0;
	s0 =	simm.s32 @!p1 $0x0  }
0x14: {  	s2 =	sld [smem:$0x3F9C];
	s0 =	simm.s32 @p1 $0x1  }
0x15: {  	[smem:$0x3FB9] =	sst s0;
	s0 =	simm.s32 @!p2 $0x0  }
0x16: {  	s3 =	sld [smem:$0x3FDB];
	s0 =	simm.s32 @p2 $0x1  }
0x17: {  	s4 =	simm.s32 $0x1BF5;
	[smem:$0x3FBB] =	sst s0  }
0x18: {  	s0 =	sld [smem:$0x3F9E];
	_ =	swait.ge [sflag:s4], $0x0  }
0x19: {  	s7 =	sld [smem:$0x3F9F]  }
0x1a: {  	s8 =	sadd.s32 $0xFFFFE003, lr  }
0x1b: {  	s9 =	sadd.s32 $0xFFFFFEF7, lr;
	s5 =	simm.s32 $0xFFFFFFFF;
	p2 =	slt.u32 s8, $0xFFFFF086  }
0x1c: {  	p1 =	slt.u32 s9, $0xF7A;
	s5 =	simm.s32 @!p2 $0x0  }
0x1d: {  	s5 =	simm.s32 @p1 $0x1;
	p0 =	seq.s32 s7, s2  }
0x1e: {  	s7 =	smul.u32 @!p0 $0xF7A, s2;
	p2 =	seq.s32 @!p0 s5, $0x0  }
0x1f: {  	s9 =	smul.u32 $0xF7A, s1;
	s8 =	simm.s32 @!p0 $0x1BF5;
	p2 =	por !p2, p0  }
0x20: {  	[sflag:s8] =	ssyncset.s32 @!p0 $0xFFFFF086;
	s6 =	sadd.s32 @!p0 s3, s7;
	s7 =	simm.s32 @!p0 $0x108  }
0x21: {  	s3 =	sadd.s32 s3, s9;
	s6 =	sadd.s32 @!p0 $0x88, s6;
	s7 =	simm.s32 @p2 $0x1082  }
0x22: {  	[simem:s7], [sflag:s8] =	dma.local @!p0 [hbm:s6], $0xF7A  }
0x23: {  	s9 =	sor.u32 $0xD0000000, s2;
	s6 =	simm.s32 $0x108;
	_ =	swait.ge @!p0 [sflag:s8], $0x0  }
0x24: {  	s3 =	sadd.s32 $0x88, s3;
	s6 =	simm.s32 @!p1 $0x1082;
	[sflag:s4] =	ssyncset.s32 $0xFFFFF086  }
0x25: {  	[simem:s6], [sflag:s4] =	dma.local [hbm:s3], $0xF7A  }
0x26: {  	[smem:$0x3F9F] =	sst s1;
	(tag) =	ssettag s2;
	_ =	strace s9  }
0x27: {  	s1 =	sld [smem:$0x3FAF]  }
0x28: {  	s2 =	sld [smem:$0x3FB0]  }
0x29: {  	s4 =	sld [smem:$0x3FB2]  }
0x2a: {  	p0 =	seq.s32 s5, $0x0;
	s5 =	sld [smem:$0x3FB3]  }
0x2b: {  	s6 =	sld [smem:$0x3FB4]  }
0x2c: {  	s7 =	sld [smem:$0x3FB5]  }
0x2d: {  	s3 =	simm.s32 $0x108;
	s8 =	sld [smem:$0x3FB6]  }
0x2e: {  	s3 =	simm.s32 @!p0 $0x1082;
	s9 =	sld [smem:$0x3FB7]  }
0x2f: {  	lr =	sadd.s32 s0, s3;
	s0 =	sld [smem:$0x3FAE]  }
0x30: {  	s3 =	sld [smem:$0x3FB1]  }
0x31: {  	[smem:$0x3FBA] =	sst s10  }
0x32: {  	s10 =	sld [smem:$0x3FB8];
	_ =	sdelay $0x3  }
0x33: {  	p0 =	seq.s32 s10, $0x1;
	s10 =	sld [smem:$0x3FBA];
	_ =	sdelay $0x3  }
0x34: {  	[smem:$0x3FBA] =	sst s10  }
0x35: {  	s10 =	sld [smem:$0x3FB9];
	_ =	sdelay $0x3  }
0x36: {  	p1 =	seq.s32 s10, $0x1;
	s10 =	sld [smem:$0x3FBA];
	_ =	sdelay $0x3  }
0x37: {  	[smem:$0x3FBA] =	sst s10  }
0x38: {  	s10 =	sld [smem:$0x3FBB]  }
0x39: {  	_ = 	snop;
	(pc) =	sbr.ind lr, $3  }
0x3a: {  	_ = 	snop  }
0x3b: {  	_ = 	snop  }
0x3c: {  	p2 =	seq.s32 s10, $0x1;
	s10 =	sld [smem:$0x3FBA]  }
0x3d: {  	_ =	shalt  }
0x3e: {  	_ =	shalt  }
0x3f: {  	_ =	shalt  }
0x40: {  	_ =	shalt  }
0x41: {  	_ =	shalt  }
0x42: {  	_ =	shalt  }
0x43: {  	_ =	shalt  }
0x44: {  	_ =	shalt  }
0x45: {  	_ =	shalt  }
0x46: {  	_ =	shalt  }
0x47: {  	_ =	shalt  }
0x48: {  	_ =	shalt  }
0x49: {  	_ =	shalt  }
0x4a: {  	_ =	shalt  }
0x4b: {  	_ =	shalt  }
0x4c: {  	_ =	shalt  }
0x4d: {  	_ =	shalt  }
0x4e: {  	_ =	shalt  }
0x4f: {  	_ =	shalt  }
0x50: {  	_ =	shalt  }
0x51: {  	_ =	shalt  }
0x52: {  	_ =	shalt  }
0x53: {  	_ =	shalt  }
0x54: {  	_ =	shalt  }
0x55: {  	_ =	shalt  }
0x56: {  	_ =	shalt  }
0x57: {  	_ =	shalt  }
0x58: {  	_ =	shalt  }
0x59: {  	_ =	shalt  }
0x5a: {  	_ =	shalt  }
0x5b: {  	_ =	shalt  }
0x5c: {  	_ =	shalt  }
0x5d: {  	_ =	shalt  }
0x5e: {  	_ =	shalt  }
0x5f: {  	_ =	shalt  }
0x60: {  	_ =	shalt  }
0x61: {  	_ =	shalt  }
0x62: {  	_ =	shalt  }
0x63: {  	_ =	shalt  }
0x64: {  	_ =	shalt  }
0x65: {  	_ =	shalt  }
0x66: {  	_ =	shalt  }
0x67: {  	_ =	shalt  }
0x68: {  	_ =	shalt  }
0x69: {  	_ =	shalt  }
0x6a: {  	_ =	shalt  }
0x6b: {  	_ =	shalt  }
0x6c: {  	_ =	shalt  }
0x6d: {  	_ =	shalt  }
0x6e: {  	_ =	shalt  }
0x6f: {  	_ =	shalt  }
0x70: {  	_ =	shalt  }
0x71: {  	_ =	shalt  }
0x72: {  	_ =	shalt  }
0x73: {  	_ =	shalt  }
0x74: {  	_ =	shalt  }
0x75: {  	_ =	shalt  }
0x76: {  	_ =	shalt  }
0x77: {  	_ =	shalt  }
0x78: {  	_ =	shalt  }
0x79: {  	_ =	shalt  }
0x7a: {  	_ =	shalt  }
0x7b: {  	_ =	shalt  }
0x7c: {  	_ =	shalt  }
0x7d: {  	_ =	shalt  }
0x7e: {  	_ =	shalt  }
0x7f: {  	_ =	shalt  }
0x80: {  	_ =	shalt  }
0x81: {  	_ =	shalt  }
0x82: {  	_ =	shalt  }
0x83: {  	_ =	shalt  }
0x84: {  	_ =	shalt  }
0x85: {  	_ =	shalt  }
0x86: {  	_ =	shalt  }
0x87: {  	_ =	shalt  }
.Lfunc_end0:
.L_simem_size_0:
called_computation_lowered:
.L_overlay_start_0:
0x88: {  	s2 =	sld [smem:$0x3FD9]  }
0x89: {  	s3 =	sld [smem:$0x3FFE];
	_ =	sdelay $0x1  }
0x8a: {  	s1 =	srdreg.scid  }
0x8b: {  	s0 =	sand.u32 $0x1, s1  }
0x8c: {  	s15 =	sshll.u32 s0, $0xA;
	s2 =	sadd.s32 s3, s2  }
0x8d: {  	s2 =	sadd.s32 s2, s15  }
0x8e: {  	[smem:$0x3FC6] =	sst s2  }
0x8f: {  	_ = 	snop  }
0x90: {  	s2 =	sld [smem:$0x3FD0];
	_ =	sdelay $0x1  }
0x91: {  	s16 =	sld [smem:$0x3FC9]  }
0x92: {  	s5 =	simm.s32 $0xA;
	s6 =	simm.s32 $0x10;
	s4 =	sld [smem:$0x3FC8]  }
0x93: {  	[smem:s6], [sflag:s5] =	dma.local [hbm:s2], $0x1  }
0x94: {  	_ =	swait.eq [sflag:s5], $0x1  }
0x95: {  	[sflag:s5] =	ssyncset.done $0x0  }
0x96: {  	[sflag:s5] =	ssyncadd.s32 $0xFFFFFFFF  }
0x97: {  	s17 =	sld [smem:$0x10];
	(tm) =	ssettm $0x1  }
0x98: {  	s18 =	sld [smem:$0x3FFB];
	_ =	sdelay $0x3  }
0x99: {  	_ =	strace s18  }
0x9a: {  	s5 =	sld [smem:$0x3FFC];
	_ =	sdelay $0x3  }
0x9b: {  	_ =	strace s5  }
0x9c: {  	s5 =	sld [smem:$0x3FFD];
	_ =	sdelay $0x3  }
0x9d: {  	_ =	strace s5  }
0x9e: {  	_ =	strace $0x8FFFFFFF  }
0x9f: {  	s19 =	sld [smem:$0x3FDB];
	_ =	sdelay $0x1  }
0xa0: {  	s20 =	simm.s32 $_scs_section_size  }
0xa1: {  	s7 =	simm.s32 $_size__tile_overlayer_lowered;
	s8 =	simm.s32 $_tile_overlayer_lowered  }
0xa2: {  	s23 =	simm.s32 $0x1BFF;
	s22 =	sshll.u32 s8, $0x1;
	s5 =	sadd.s32 s20, s19  }
0xa3: {  	s9 =	simm.s32 $0x0;
	s21 =	sshll.u32 s7, $0x1;
	s7 =	sadd.s32 s22, s5  }
0xa4: {  	[timem:s9], [sflag:s23] =	dma.local [hbm:s7], s21  }
0xa5: {  	_ =	swait.ge [sflag:s23], s21  }
0xa6: {  	s6 =	ssub.s32 $0x0, s21;
	[sflag:s23] =	ssyncset.done $0x0  }
0xa7: {  	[sflag:s23] =	ssyncadd.s32 s6;
	_ =	sdelay $0x1  }
0xa8: {  	s24 =	simm.s32 $0x1B8B  }
0xa9: {  	_ =	swait.ge [sflag:s24], $0x1  }
0xaa: {  	[sflag:s24] =	ssyncset.done $0x0  }
0xab: {  	s25 =	simm.s32 $0x1B8E;
	[sflag:s24] =	ssyncadd.s32 $0xFFFFFFFF  }
0xac: {  	s26 =	simm.s32 $execute0_lowered;
	[smem:$0x3FD2] =	sst s25  }
0xad: {  	s6 =	sshll.u32 s26, $0x1;
	_ =	strace $0x80000046;
	[dreg:$0x1] =	wrdreg $0xFFFFFFFF  }
0xae: {  	s28 =	simm.s32 $_size_execute0_lowered;
	s5 =	sadd.s32 s5, s6;
	[dreg:$0x0] =	wrdreg $0x0  }
0xaf: {  	s6 =	sshll.u32 s28, $0x1;
	[dreg:$0x2] =	wrdreg s5  }
0xb0: {  	[dreg:$0x3] =	wrdreg s6  }
0xb1: {  	[dreg:$0x4] =	wrdreg $0xC0  }
0xb2: {  	_ =	task [dreg:s9], $0x5FFFF  }
0xb3: {  	[dreg:$0x1] =	wrdreg $0xFFFFFFFF  }
0xb4: {  	[dreg:$0x0] =	wrdreg $0x60  }
0xb5: {  	[dreg:$0x2] =	wrdreg s16  }
0xb6: {  	[dreg:$0x3] =	wrdreg s4  }
0xb7: {  	[dreg:$0x4] =	wrdreg s17  }
0xb8: {  	[dreg:$0x5] =	wrdreg $0x9  }
0xb9: {  	_ =	task.clear_ibuf [dreg:s9], $0x6FFFF;
	_ =	strace $0x90000046  }
0xba: {  	s29 =	simm.s32 $0x9;
	_ =	strace $0x80000048  }
0xbb: {  	_ =	swait.ge [sflag:s29], $0x1  }
0xbc: {  	[sflag:s29] =	ssyncadd.s32 $0xFFFFFFFF  }
0xbd: {  	_ =	strace $0x90000048  }
0xbe: {  	_ =	sfence  }
0xbf: {  	s30 =	sld [smem:$0x0];
	_ =	sdelay $0x2  }
0xc0: {  	s31 =	sshll.u32 s1, $0xD;
	s1 =	sshrl.u32 s1, $0x2  }
0xc1: {  	s3 =	sand.u32 $0x4000, s31;
	s1 =	sadd.s32 s1, s30  }
0xc2: {  	s0 =	sor.u32 s3, s0;
	s1 =	sshll.u32 s1, $0x11  }
0xc3: {  	s0 =	sor.u32 s1, s0  }
0xc4: {  	s0 =	sadd.s32 $0x8F2B, s0  }
0xc5: {  	[sflag:s0] =	ssyncadd.remote.s32 $0x1  }
0xc6: {  	_ =	sfence.sel $0xFFFF  }
0xc7: {  	[dreg:$0x0] =	wrdreg $0xFFFFFFFF;
	(pc) =	sbr.abs _section_cstart, $3  }
0xc8: {  	[dreg:$0x1] =	wrdreg $0xFFFFFFFF  }
0xc9: {  	_ =	task.clear_ibuf [dreg:s9], $0x2FFFF;
	_ =	strace $0x9FFFFFFF  }
0xca: {  	(tm) =	ssettm $0x7FFFFFFF  }
0xcb: {  	_ =	shalt  }
tec
execute0_lowered:
.L_overlay_start_1:
0x0: {  	(tag) =	ssettag $0x1  }
0x1: {  	s2 =	srdreg.scid  }
0x2: {  	s0 =	stileid.u32;
	s1 =	rddreg [dreg:$0x0]  }
0x3: {  	s4 =	rddreg [dreg:$0x1];
	s2 =	sand.u32 $0x1, s2;
	s3 =	sshll.u32 s0, $0x1  }
0x4: {  	s6 =	rddreg [dreg:$0x2];
	s5 =	sor.u32 s2, s3;
	s3 =	simm.s32 $0x0  }
0x5: {  	s20 =	simm.s32 $0x880;
	[smem:$0x7FF] =	sst s3  }
0x6: {  	s21 =	simm.s32 $0x1080;
	_ =	strace $0x80000047;
	[dreg:$0x7] =	wrdreg s20  }
0x7: {  	s22 =	simm.s32 $0x1880;
	[dreg:$0x8] =	wrdreg s21  }
0x8: {  	s23 =	simm.s32 $0x2080;
	[dreg:$0x9] =	wrdreg s22  }
0x9: {  	s24 =	simm.s32 $0x2880;
	[dreg:$0xa] =	wrdreg s23  }
0xa: {  	s25 =	simm.s32 $0x3080;
	[dreg:$0xb] =	wrdreg s24  }
0xb: {  	s26 =	simm.s32 $0x3880;
	[dreg:$0xc] =	wrdreg s25  }
0xc: {  	s0 =	simm.s32 $0x4080;
	[dreg:$0xd] =	wrdreg s26  }
0xd: {  	s9 =	simm.s32 $0x6880;
	s10 =	simm.s32 $0x7080;
	[dreg:$0xe] =	wrdreg s0  }
0xe: {  	s11 =	simm.s32 $0x7880;
	s12 =	simm.s32 $0x8080;
	[dreg:$0x13] =	wrdreg s9  }
0xf: {  	s13 =	simm.s32 $0x8880;
	s14 =	simm.s32 $0x9080;
	[dreg:$0x14] =	wrdreg s10  }
0x10: {  	s15 =	simm.s32 $0x9880;
	s28 =	simm.s32 $0x17880;
	[dreg:$0x15] =	wrdreg s11  }
0x11: {  	s29 =	simm.s32 $0x1;
	s30 =	simm.s32 $0x2;
	[dreg:$0x16] =	wrdreg s12  }
0x12: {  	s31 =	simm.s32 $0x3;
	s7 =	smul.u32 $0xC, s5;
	[dreg:$0x17] =	wrdreg s13  }
0x13: {  	s2 =	ssub.s32 $0x2, s2;
	s8 =	smul.u32 $0x18000, s5;
	[dreg:$0x18] =	wrdreg s14  }
0x14: {  	s5 =	smul.u32 $0x3000, s5;
	[dreg:$0x19] =	wrdreg s15;
	s20 =	simm.s32 $0xB880  }
0x15: {  	s21 =	simm.s32 $0xC880;
	s22 =	simm.s32 $0xD080;
	s23 =	simm.s32 $0xD880  }
0x16: {  	s24 =	simm.s32 $0xE080;
	s25 =	simm.s32 $0xE880;
	[dreg:$0x1d] =	wrdreg s20  }
0x17: {  	s26 =	simm.s32 $0xF080;
	s9 =	simm.s32 $0x80;
	[dreg:$0x1e] =	wrdreg s21  }
0x18: {  	s10 =	simm.s32 $0xC080;
	s12 =	simm.s32 $0x10080;
	[dreg:$0x1f] =	wrdreg s22  }
0x19: {  	s13 =	simm.s32 $0x10880;
	s14 =	simm.s32 $0x11080;
	[smem:$0x7FA] =	sst s23  }
0x1a: {  	s15 =	simm.s32 $0x11880;
	s4 =	sadd.s32 s4, s7;
	[smem:$0x7FB] =	sst s24  }
0x1b: {  	s16 =	sshrl.u32 s8, $0x3;
	s17 =	sadd.s32 s6, s5;
	[smem:$0x7FC] =	sst s25  }
0x1c: {  	s5 =	simm.s32 $0x4880;
	s7 =	simm.s32 $0x5880;
	[smem:$0x7FD] =	sst s26  }
0x1d: {  	s8 =	simm.s32 $0x6080;
	s20 =	simm.s32 $0x14080;
	[dreg:$0x4] =	wrdreg s4  }
0x1e: {  	s21 =	simm.s32 $0x14880;
	s22 =	simm.s32 $0x15080;
	[dreg:$0x5] =	wrdreg s17  }
0x1f: {  	s23 =	simm.s32 $0x15880;
	s24 =	simm.s32 $0x16080;
	[dreg:$0xf] =	wrdreg s5  }
0x20: {  	s25 =	simm.s32 $0x16880;
	s26 =	simm.s32 $0x17080;
	[dreg:$0x11] =	wrdreg s7  }
0x21: {  	s18 =	sadd.s32 s6, s16;
	s6 =	simm.s32 $0x5080;
	[dreg:$0x12] =	wrdreg s8  }
0x22: {  	s16 =	simm.s32 $0xA080;
	s17 =	simm.s32 $0xA880;
	[dreg:$0x10] =	wrdreg s6  }
0x23: {  	s4 =	sadd.s32 $0x100, s1;
	s5 =	sadd.s32 $0x200, s1;
	[dreg:$0x1a] =	wrdreg s16  }
0x24: {  	s8 =	simm.s32 $0x5;
	s19 =	sadd.s32 $0x1800, s18;
	[dreg:$0x1b] =	wrdreg s17  }
0x25: {  	s18 =	simm.s32 $0xB080;
	s6 =	sadd.s32 $0x300, s1;
	s16 =	simm.s32 $0x12080  }
0x26: {  	v2 =	vlaneseq.u32;
	s17 =	simm.s32 $0x12880;
	[dreg:$0x6] =	wrdreg s19;
	s19 =	sshrl.u32 s2, $0x1  }
0x27: {  	vm0 =	vmmov $0xffff;
	v1 =	vshrl.u32 v2, $0x3;
	[dreg:$0x1c] =	wrdreg s18;
	s18 =	simm.s32 $0x13080;
	s2 =	ssub.s32 s2, s19  }
0x28: {  	v0 =	vand.u32 $0x7, v2;
	v2 =	vor.u32 $0x8, v2;
	v1 =	vmul.u32 $0x8, v1;
	s19 =	simm.s32 $0x13880;
	s7 =	smax.u32 s2, $0x1;
	s2 =	simm.s32 $0x4  }
.LBB2_1:
0x29: {  	s0 =	rddreg [dreg:$0x4]  }
0x2a: {  	[tilespmem:s3], [sflag:$0x5] =	stream.linear.gather [hbm4b:s0+s3], $0x60, $0x38;
	[tilespmem:$0x18080] =	vst v63  }
0x2b: {  	_ =	swait.ge [sflag:s8], $0x60  }
0x2c: {  	[sflag:s8] =	ssyncset.done $0x0  }
0x2d: {  	[sflag:s8] =	ssyncadd.s32 $0xFFFFFFA0  }
0x2e: {  	v3 =	vld [tilespmem:$0x0];
	_ =	sdelay $0x4  }
0x2f: {  	v4 =	vshll.u32 v3, $0x3  }
0x30: {  	v3 =	vand.u32 $0x7, v3;
	v4 =	vand.u32 $0xFFFFFFC0, v4  }
0x31: {  	v3 =	vor.u32 v3, v4  }
0x32: {  	v4 =	vperm.xlane v3, v0;
	_ =	sdelay $0x1  }
0x33: {  	v4 =	vadd.s32 v1, v4;
	_ =	sdelay $0x4  }
0x34: {  	[tilespmem:s9], [sflag:$0x1] =	stream.indirect_vreg.gather [hbm4b:s1+s3], $0x80, v4, vm0, $0xb8;
	[tilespmem:$0x18080] =	vst v63  }
0x35: {  	s0 =	rddreg [dreg:$0x7];
	v3 =	vperm.xlane v3, v2  }
0x36: {  	[tilespmem:s0], [sflag:$0x1] =	stream.indirect_vreg.gather [hbm4b:s4+s3], $0x80, v4, vm0, $0xb8;
	[tilespmem:$0x18080] =	vst v63  }
0x37: {  	s11 =	rddreg [dreg:$0x8];
	v3 =	vadd.s32 v1, v3  }
0x38: {  	[tilespmem:s11], [sflag:$0x1] =	stream.indirect_vreg.gather [hbm4b:s5+s3], $0x80, v4, vm0, $0xb8;
	[tilespmem:$0x18080] =	vst v63  }
0x39: {  	s0 =	rddreg [dreg:$0x9]  }
0x3a: {  	[tilespmem:s0], [sflag:$0x1] =	stream.indirect_vreg.gather [hbm4b:s6+s3], $0x80, v4, vm0, $0xb8;
	[tilespmem:$0x18080] =	vst v63  }
0x3b: {  	s11 =	rddreg [dreg:$0xa]  }
0x3c: {  	[tilespmem:s11], [sflag:$0x1] =	stream.indirect_vreg.gather [hbm4b:s1+s3], $0x80, v3, vm0, $0xb8;
	[tilespmem:$0x18080] =	vst v63  }
0x3d: {  	s0 =	rddreg [dreg:$0xb]  }
0x3e: {  	[tilespmem:s0], [sflag:$0x1] =	stream.indirect_vreg.gather [hbm4b:s4+s3], $0x80, v3, vm0, $0xb8;
	[tilespmem:$0x18080] =	vst v63  }
0x3f: {  	s11 =	rddreg [dreg:$0xc]  }
0x40: {  	[tilespmem:s11], [sflag:$0x1] =	stream.indirect_vreg.gather [hbm4b:s5+s3], $0x80, v3, vm0, $0xb8;
	[tilespmem:$0x18080] =	vst v63  }
0x41: {  	s0 =	rddreg [dreg:$0xd]  }
0x42: {  	[tilespmem:s0], [sflag:$0x1] =	stream.indirect_vreg.gather [hbm4b:s6+s3], $0x80, v3, vm0, $0xb8;
	[tilespmem:$0x18080] =	vst v63  }
0x43: {  	v3 =	vld [tilespmem:$0x10];
	_ =	sdelay $0x4  }
0x44: {  	v59 =	vshll.u32 v3, $0x3  }
0x45: {  	v3 =	vand.u32 $0x7, v3;
	v4 =	vand.u32 $0xFFFFFFC0, v59  }
0x46: {  	v3 =	vor.u32 v3, v4  }
0x47: {  	v4 =	vperm.xlane v3, v0;
	_ =	sdelay $0x1  }
0x48: {  	v4 =	vadd.s32 v1, v4;
	_ =	sdelay $0x3  }
0x49: {  	s0 =	rddreg [dreg:$0xe]  }
0x4a: {  	[tilespmem:s0], [sflag:$0x1] =	stream.indirect_vreg.gather [hbm4b:s1+s3], $0x80, v4, vm0, $0xb8;
	[tilespmem:$0x18080] =	vst v63  }
0x4b: {  	s11 =	rddreg [dreg:$0xf];
	v3 =	vperm.xlane v3, v2  }
0x4c: {  	[tilespmem:s11], [sflag:$0x1] =	stream.indirect_vreg.gather [hbm4b:s4+s3], $0x80, v4, vm0, $0xb8;
	[tilespmem:$0x18080] =	vst v63  }
0x4d: {  	v3 =	vadd.s32 v1, v3;
	s0 =	rddreg [dreg:$0x10]  }
0x4e: {  	[tilespmem:s0], [sflag:$0x1] =	stream.indirect_vreg.gather [hbm4b:s5+s3], $0x80, v4, vm0, $0xb8;
	[tilespmem:$0x18080] =	vst v63  }
0x4f: {  	s11 =	rddreg [dreg:$0x11]  }
0x50: {  	[tilespmem:s11], [sflag:$0x1] =	stream.indirect_vreg.gather [hbm4b:s6+s3], $0x80, v4, vm0, $0xb8;
	[tilespmem:$0x18080] =	vst v63  }
0x51: {  	s0 =	rddreg [dreg:$0x12]  }
0x52: {  	[tilespmem:s0], [sflag:$0x1] =	stream.indirect_vreg.gather [hbm4b:s1+s3], $0x80, v3, vm0, $0xb8;
	[tilespmem:$0x18080] =	vst v63  }
0x53: {  	s11 =	rddreg [dreg:$0x13]  }
0x54: {  	[tilespmem:s11], [sflag:$0x1] =	stream.indirect_vreg.gather [hbm4b:s4+s3], $0x80, v3, vm0, $0xb8;
	[tilespmem:$0x18080] =	vst v63  }
0x55: {  	s0 =	rddreg [dreg:$0x14]  }
0x56: {  	[tilespmem:s0], [sflag:$0x1] =	stream.indirect_vreg.gather [hbm4b:s5+s3], $0x80, v3, vm0, $0xb8;
	[tilespmem:$0x18080] =	vst v63  }
0x57: {  	s11 =	rddreg [dreg:$0x15]  }
0x58: {  	[tilespmem:s11], [sflag:$0x1] =	stream.indirect_vreg.gather [hbm4b:s6+s3], $0x80, v3, vm0, $0xb8;
	[tilespmem:$0x18080] =	vst v63  }
0x59: {  	v3 =	vld [tilespmem:$0x20];
	_ =	sdelay $0x4  }
0x5a: {  	v60 =	vshll.u32 v3, $0x3  }
0x5b: {  	v3 =	vand.u32 $0x7, v3;
	v4 =	vand.u32 $0xFFFFFFC0, v60  }
0x5c: {  	v3 =	vor.u32 v3, v4  }
0x5d: {  	v4 =	vperm.xlane v3, v0;
	_ =	sdelay $0x1  }
0x5e: {  	v4 =	vadd.s32 v1, v4;
	_ =	sdelay $0x3  }
0x5f: {  	s0 =	rddreg [dreg:$0x16]  }
0x60: {  	[tilespmem:s0], [sflag:$0x1] =	stream.indirect_vreg.gather [hbm4b:s1+s3], $0x80, v4, vm0, $0xb8;
	[tilespmem:$0x18080] =	vst v63  }
0x61: {  	s11 =	rddreg [dreg:$0x17];
	v3 =	vperm.xlane v3, v2  }
0x62: {  	[tilespmem:s11], [sflag:$0x1] =	stream.indirect_vreg.gather [hbm4b:s4+s3], $0x80, v4, vm0, $0xb8;
	[tilespmem:$0x18080] =	vst v63  }
0x63: {  	v3 =	vadd.s32 v1, v3;
	s0 =	rddreg [dreg:$0x18]  }
0x64: {  	[tilespmem:s0], [sflag:$0x1] =	stream.indirect_vreg.gather [hbm4b:s5+s3], $0x80, v4, vm0, $0xb8;
	[tilespmem:$0x18080] =	vst v63  }
0x65: {  	s11 =	rddreg [dreg:$0x19]  }
0x66: {  	[tilespmem:s11], [sflag:$0x1] =	stream.indirect_vreg.gather [hbm4b:s6+s3], $0x80, v4, vm0, $0xb8;
	[tilespmem:$0x18080] =	vst v63  }
0x67: {  	s0 =	rddreg [dreg:$0x1a]  }
0x68: {  	[tilespmem:s0], [sflag:$0x1] =	stream.indirect_vreg.gather [hbm4b:s1+s3], $0x80, v3, vm0, $0xb8;
	[tilespmem:$0x18080] =	vst v63  }
0x69: {  	s11 =	rddreg [dreg:$0x1b]  }
0x6a: {  	[tilespmem:s11], [sflag:$0x1] =	stream.indirect_vreg.gather [hbm4b:s4+s3], $0x80, v3, vm0, $0xb8;
	[tilespmem:$0x18080] =	vst v63  }
0x6b: {  	s0 =	rddreg [dreg:$0x1c]  }
0x6c: {  	[tilespmem:s0], [sflag:$0x1] =	stream.indirect_vreg.gather [hbm4b:s5+s3], $0x80, v3, vm0, $0xb8;
	[tilespmem:$0x18080] =	vst v63  }
0x6d: {  	s11 =	rddreg [dreg:$0x1d]  }
0x6e: {  	[tilespmem:s11], [sflag:$0x1] =	stream.indirect_vreg.gather [hbm4b:s6+s3], $0x80, v3, vm0, $0xb8;
	[tilespmem:$0x18080] =	vst v63  }
0x6f: {  	v3 =	vld [tilespmem:$0x30];
	_ =	sdelay $0x4  }
0x70: {  	v61 =	vshll.u32 v3, $0x3  }
0x71: {  	v3 =	vand.u32 $0x7, v3;
	v4 =	vand.u32 $0xFFFFFFC0, v61  }
0x72: {  	v3 =	vor.u32 v3, v4  }
0x73: {  	v4 =	vperm.xlane v3, v0;
	_ =	sdelay $0x1  }
0x74: {  	v4 =	vadd.s32 v1, v4;
	_ =	sdelay $0x3  }
0x75: {  	s0 =	rddreg [dreg:$0x1e]  }
0x76: {  	[tilespmem:s10], [sflag:$0x2] =	stream.indirect_vreg.gather [hbm4b:s1+s3], $0x80, v4, vm0, $0xb8;
	[tilespmem:$0x18080] =	vst v63  }
0x77: {  	s11 =	rddreg [dreg:$0x1f];
	v3 =	vperm.xlane v3, v2  }
0x78: {  	[tilespmem:s0], [sflag:$0x2] =	stream.indirect_vreg.gather [hbm4b:s4+s3], $0x80, v4, vm0, $0xb8;
	[tilespmem:$0x18080] =	vst v63  }
0x79: {  	v3 =	vadd.s32 v1, v3;
	s0 =	sld [smem:$0x7FA]  }
0x7a: {  	[tilespmem:s11], [sflag:$0x2] =	stream.indirect_vreg.gather [hbm4b:s5+s3], $0x80, v4, vm0, $0xb8;
	[tilespmem:$0x18080] =	vst v63  }
0x7b: {  	s11 =	sld [smem:$0x7FB]  }
0x7c: {  	[tilespmem:s0], [sflag:$0x2] =	stream.indirect_vreg.gather [hbm4b:s6+s3], $0x80, v4, vm0, $0xb8;
	[tilespmem:$0x18080] =	vst v63  }
0x7d: {  	s0 =	sld [smem:$0x7FC]  }
0x7e: {  	[tilespmem:s11], [sflag:$0x2] =	stream.indirect_vreg.gather [hbm4b:s1+s3], $0x80, v3, vm0, $0xb8;
	[tilespmem:$0x18080] =	vst v63  }
0x7f: {  	s11 =	sld [smem:$0x7FD]  }
0x80: {  	[tilespmem:s0], [sflag:$0x2] =	stream.indirect_vreg.gather [hbm4b:s4+s3], $0x80, v3, vm0, $0xb8;
	[tilespmem:$0x18080] =	vst v63  }
0x81: {  	_ = 	snop  }
0x82: {  	[tilespmem:s11], [sflag:$0x2] =	stream.indirect_vreg.gather [hbm4b:s5+s3], $0x80, v3, vm0, $0xb8;
	[tilespmem:$0x18080] =	vst v63  }
0x83: {  	s11 =	simm.s32 $0xF880  }
0x84: {  	[tilespmem:s11], [sflag:$0x2] =	stream.indirect_vreg.gather [hbm4b:s6+s3], $0x80, v3, vm0, $0xb8;
	[tilespmem:$0x18080] =	vst v63  }
0x85: {  	v3 =	vld [tilespmem:$0x40];
	_ =	sdelay $0x4  }
0x86: {  	v62 =	vshll.u32 v3, $0x3  }
0x87: {  	v3 =	vand.u32 $0x7, v3;
	v4 =	vand.u32 $0xFFFFFFC0, v62  }
0x88: {  	v3 =	vor.u32 v3, v4  }
0x89: {  	v4 =	vperm.xlane v3, v0;
	_ =	sdelay $0x1  }
0x8a: {  	v4 =	vadd.s32 v1, v4;
	_ =	sdelay $0x4  }
0x8b: {  	[tilespmem:s12], [sflag:$0x2] =	stream.indirect_vreg.gather [hbm4b:s1+s3], $0x80, v4, vm0, $0xb8;
	[tilespmem:$0x18080] =	vst v63  }
0x8c: {  	v3 =	vperm.xlane v3, v2  }
0x8d: {  	[tilespmem:s13], [sflag:$0x2] =	stream.indirect_vreg.gather [hbm4b:s4+s3], $0x80, v4, vm0, $0xb8;
	[tilespmem:$0x18080] =	vst v63  }
0x8e: {  	v3 =	vadd.s32 v1, v3  }
0x8f: {  	[tilespmem:s14], [sflag:$0x2] =	stream.indirect_vreg.gather [hbm4b:s5+s3], $0x80, v4, vm0, $0xb8;
	[tilespmem:$0x18080] =	vst v63  }
0x90: {  	_ = 	snop  }
0x91: {  	[tilespmem:s15], [sflag:$0x2] =	stream.indirect_vreg.gather [hbm4b:s6+s3], $0x80, v4, vm0, $0xb8;
	[tilespmem:$0x18080] =	vst v63  }
0x92: {  	_ = 	snop  }
0x93: {  	[tilespmem:s16], [sflag:$0x2] =	stream.indirect_vreg.gather [hbm4b:s1+s3], $0x80, v3, vm0, $0xb8;
	[tilespmem:$0x18080] =	vst v63  }
0x94: {  	_ = 	snop  }
0x95: {  	[tilespmem:s17], [sflag:$0x2] =	stream.indirect_vreg.gather [hbm4b:s4+s3], $0x80, v3, vm0, $0xb8;
	[tilespmem:$0x18080] =	vst v63  }
0x96: {  	_ = 	snop  }
0x97: {  	[tilespmem:s18], [sflag:$0x2] =	stream.indirect_vreg.gather [hbm4b:s5+s3], $0x80, v3, vm0, $0xb8;
	[tilespmem:$0x18080] =	vst v63  }
0x98: {  	_ = 	snop  }
0x99: {  	[tilespmem:s19], [sflag:$0x2] =	stream.indirect_vreg.gather [hbm4b:s6+s3], $0x80, v3, vm0, $0xb8;
	[tilespmem:$0x18080] =	vst v63  }
0x9a: {  	v3 =	vld [tilespmem:$0x50];
	_ =	sdelay $0x4  }
0x9b: {  	v63 =	vshll.u32 v3, $0x3  }
0x9c: {  	v3 =	vand.u32 $0x7, v3;
	v4 =	vand.u32 $0xFFFFFFC0, v63  }
0x9d: {  	v3 =	vor.u32 v3, v4  }
0x9e: {  	v4 =	vperm.xlane v3, v0;
	_ =	sdelay $0x1  }
0x9f: {  	v4 =	vadd.s32 v1, v4;
	_ =	sdelay $0x4  }
0xa0: {  	[tilespmem:s20], [sflag:$0x2] =	stream.indirect_vreg.gather [hbm4b:s1+s3], $0x80, v4, vm0, $0xb8;
	[tilespmem:$0x18080] =	vst v63  }
0xa1: {  	v3 =	vperm.xlane v3, v2  }
0xa2: {  	[tilespmem:s21], [sflag:$0x2] =	stream.indirect_vreg.gather [hbm4b:s4+s3], $0x80, v4, vm0, $0xb8;
	[tilespmem:$0x18080] =	vst v63  }
0xa3: {  	v3 =	vadd.s32 v1, v3  }
0xa4: {  	[tilespmem:s22], [sflag:$0x2] =	stream.indirect_vreg.gather [hbm4b:s5+s3], $0x80, v4, vm0, $0xb8;
	[tilespmem:$0x18080] =	vst v63  }
0xa5: {  	_ = 	snop  }
0xa6: {  	[tilespmem:s23], [sflag:$0x2] =	stream.indirect_vreg.gather [hbm4b:s6+s3], $0x80, v4, vm0, $0xb8;
	[tilespmem:$0x18080] =	vst v63  }
0xa7: {  	_ = 	snop  }
0xa8: {  	[tilespmem:s24], [sflag:$0x2] =	stream.indirect_vreg.gather [hbm4b:s1+s3], $0x80, v3, vm0, $0xb8;
	[tilespmem:$0x18080] =	vst v63  }
0xa9: {  	_ = 	snop  }
0xaa: {  	[tilespmem:s25], [sflag:$0x2] =	stream.indirect_vreg.gather [hbm4b:s4+s3], $0x80, v3, vm0, $0xb8;
	[tilespmem:$0x18080] =	vst v63  }
0xab: {  	_ = 	snop  }
0xac: {  	[tilespmem:s26], [sflag:$0x2] =	stream.indirect_vreg.gather [hbm4b:s5+s3], $0x80, v3, vm0, $0xb8;
	[tilespmem:$0x18080] =	vst v63  }
0xad: {  	_ = 	snop  }
0xae: {  	[tilespmem:s28], [sflag:$0x2] =	stream.indirect_vreg.gather [hbm4b:s6+s3], $0x80, v3, vm0, $0xb8;
	[tilespmem:$0x18080] =	vst v63  }
0xaf: {  	_ =	swait.ge [sflag:s29], $0xC000  }
0xb0: {  	[sflag:s29] =	ssyncset.done $0x0  }
0xb1: {  	s11 =	rddreg [dreg:$0x5];
	[sflag:s29] =	ssyncadd.s32 $0xFFFF4000  }
0xb2: {  	[hbm4b:s11+s3] =	stream.linear.scatter [tilespmem:s9], [sflag:$0x3], $0xC000, $0x38;
	[tilespmem:$0x18080] =	vst v63  }
0xb3: {  	_ =	swait.ge [sflag:s30], $0xC000  }
0xb4: {  	[sflag:s30] =	ssyncset.done $0x0  }
0xb5: {  	s11 =	rddreg [dreg:$0x6];
	[sflag:s30] =	ssyncadd.s32 $0xFFFF4000  }
0xb6: {  	[hbm4b:s11+s3] =	stream.linear.scatter [tilespmem:s10], [sflag:$0x4], $0xC000, $0x38;
	[tilespmem:$0x18080] =	vst v63  }
0xb7: {  	p0 =	sne.s32 s7, $0x1;
	_ =	swait.ge [sflag:s31], $0xC000  }
.Ltmp0:
0xb8: {  	[sflag:s31] =	ssyncset.done $0x0;
	(pc) =	sbr.rel @p0 .LBB2_1-.Ltmp0, $4  }
0xb9: {  	[sflag:s31] =	ssyncadd.s32 $0xFFFF4000  }
0xba: {  	_ =	swait.ge [sflag:s2], $0xC000  }
0xbb: {  	[sflag:s2] =	ssyncset.done $0x0  }
0xbc: {  	s7 =	sadd.s32 $0xFFFFFFFF, s7;
	[sflag:s2] =	ssyncadd.s32 $0xFFFF4000  }
0xbd: {  	_ =	sfence.sel $0x180000  }
0xbe: {  	[bflag:$0x0] =	sbarrier.arrive $0xFFFF  }
0xbf: {  	_ =	strace $0x90000047  }
0xc0: {  	s0 =	stileid.u32;
	[bflag:$0x2] =	sbarrier.arrive $0xFFFF  }
0xc1: {  	p0 =	sne.s32 s0, $0x0;
	s0 =	rddreg [dreg:$0x3]  }
0xc2: {  	s0 =	sadd.s32 @!p0 $0x100000, s0  }
0xc3: {  	[sflag:s0] =	ssyncadd.tile.s32 @!p0 $0x1;
	_ =	shalt  }
.Lfunc_end2:
_tile_overlayer_lowered:
.L_overlay_start_2:
0xc4: {  	(tag) =	ssettag $0x2  }
0xc5: {  	s0 =	rddreg [dreg:$0x0];
	s2 =	stileid.u32  }
0xc6: {  	s1 =	rddreg [dreg:$0x1];
	p0 =	sne.s32 s2, $0x0  }
0xc7: {  	s3 =	rddreg [dreg:$0x2];
	[bflag:$0x3] =	sbarrier.arrive $0xFFFF;
	s2 =	simm.s32 @!p0 $0x1C05  }
0xc8: {  	[timem:s3], [sflag:s2] =	dma.local @!p0 [hbm:s0], s1  }
0xc9: {  	s0 =	simm.s32 @!p0 $0x5  }
0xca: {  	_ =	swait.ge @!p0 [sflag:s0], s1  }
0xcb: {  	s1 =	ssub.s32 @!p0 $0x0, s1;
	[sflag:s0] =	ssyncset.done @!p0 $0x0  }
0xcc: {  	[sflag:s0] =	ssyncadd.s32 @!p0 s1  }
0xcd: {  	[bflag:$0x3] =	sbarrier.arrive $0xFFFF  }
0xce: {  	_ =	shalt  }

</sc_bundles>
